<compile_context>
chip_gen: v7x
topology: tpu7x:2x2x1
jax: 0.10.2.dev20260603
libtpu: 0.0.44.dev20260713+nightly
codegen_flags: <defaults>
</compile_context>

<pallas_src>
import functools

import jax
import jax.numpy as jnp
from jax import lax
from jax.experimental import pallas as pl
from jax.experimental.pallas import tpu as pltpu
from jax.experimental.pallas import tpu_sc as plsc

B = 16384
FD = 64
CTX = 128
RD = 256
BB = 4096

NC, NS = 2, 16
NW = NC * NS
BPW = B // NW

_DN = (((0,), (0,)), ((), ()))


def _prep_body(idx_ref, tt_ref, pt_ref, gt_ref, rt_ref, w1e_ref, b1_ref,
               tall_ref, cidx_ref):
    f32 = jnp.float32
    p_t = jnp.dot(tt_ref[...], w1e_ref[0:64, :], preferred_element_type=f32)
    p_p = jnp.dot(pt_ref[...], w1e_ref[64:128, :], preferred_element_type=f32)
    p_g = jnp.dot(gt_ref[...], w1e_ref[128:192, :], preferred_element_type=f32)
    p_r = jnp.dot(rt_ref[...], w1e_ref[192:256, :], preferred_element_type=f32)
    p_tp = (p_t[:, None, :] + p_p[None, :, :]).reshape(16 * 8, CTX)
    p_gr = (p_g[:, None, :] + p_r[None, :, :]).reshape(8 * 8, CTX)
    tall = (p_tp[:, None, :] + p_gr[None, :, :]).reshape(16 * 8 * 8 * 8, CTX)
    tall_ref[...] = tall + b1_ref[...]
    cidx_ref[...] = (idx_ref[0:1, :] * 512 + idx_ref[1:2, :] * 64
                     + idx_ref[2:3, :] * 8 + idx_ref[3:4, :])


def _sc_gather_body(tall_hbm, cidx_hbm, out_hbm, idx_v, rows_v, sem):
    wid = lax.axis_index("s") * NC + lax.axis_index("c")
    base = wid * BPW
    pltpu.sync_copy(cidx_hbm.at[pl.ds(base, BPW)], idx_v)
    pltpu.async_copy(tall_hbm.at[idx_v], rows_v, sem).wait()
    pltpu.sync_copy(rows_v, out_hbm.at[pl.ds(base, BPW)])


def _make_sc_gather():
    return pl.kernel(
        _sc_gather_body,
        mesh=plsc.VectorSubcoreMesh(core_axis_name="c", subcore_axis_name="s"),
        out_type=jax.ShapeDtypeStruct((B, CTX), jnp.float32),
        scratch_types=[
            pltpu.VMEM((BPW,), jnp.int32),
            pltpu.VMEM((BPW, CTX), jnp.float32),
            pltpu.SemaphoreType.DMA,
        ],
    )


def _mlp_body(logit_ref, mol_ref, emb_ref, wlog_ref, w1m_ref, w2_ref, b2_ref,
              out_ref):
    f32 = jnp.float32
    dg = lambda a, b: jax.lax.dot_general(a, b, _DN, preferred_element_type=f32)
    acc = jnp.dot(mol_ref[...], w1m_ref[...], preferred_element_type=f32)
    acc = acc + dg(logit_ref[...], wlog_ref[...])
    acc = acc + emb_ref[...]
    h = 0.5 * acc * (1.0 + jax.lax.erf(acc * 0.7071067811865476))
    out_ref[...] = jnp.dot(h, w2_ref[...], preferred_element_type=f32) + b2_ref[...]


@jax.jit
def _run(idx4, logit_row, mol_repr, type_table, prep_table, geom_table,
         read_table, w1_emb, w_log, w1_mol, b1_2d, w2, b2_2d):
    full = lambda shape: pl.BlockSpec(shape, lambda i: (0, 0))
    tall, cidx = pl.pallas_call(
        _prep_body,
        grid=(1,),
        in_specs=[full((4, B)), full((16, FD)), full((8, FD)), full((8, FD)),
                  full((8, FD)), full((4 * FD, CTX)), full((1, CTX))],
        out_specs=[full((16 * 8 * 8 * 8, CTX)), full((1, B))],
        out_shape=[jax.ShapeDtypeStruct((16 * 8 * 8 * 8, CTX), jnp.float32),
                   jax.ShapeDtypeStruct((1, B), jnp.int32)],
    )(idx4, type_table, prep_table, geom_table, read_table, w1_emb, b1_2d)

    emb = _make_sc_gather()(tall, cidx.reshape(B))

    nb = B // BB
    out = pl.pallas_call(
        _mlp_body,
        grid=(nb,),
        in_specs=[
            pl.BlockSpec((1, BB), lambda i: (0, i)),
            pl.BlockSpec((BB, RD), lambda i: (i, 0)),
            pl.BlockSpec((BB, CTX), lambda i: (i, 0)),
            full((1, CTX)), full((RD, CTX)), full((CTX, CTX)), full((1, CTX)),
        ],
        out_specs=pl.BlockSpec((BB, CTX), lambda i: (i, 0)),
        out_shape=jax.ShapeDtypeStruct((B, CTX), jnp.float32),
    )(logit_row, mol_repr, emb, w_log, w1_mol, w2, b2_2d)
    return out


def kernel(assay_type_idx, assay_prep_idx, assay_geometry_idx, assay_readout_idx,
           binding_logit, mol_repr, type_table, prep_table, geom_table, read_table,
           W1, b1, W2, b2):
    i32 = jnp.int32
    idx4 = jnp.stack(
        [assay_type_idx.astype(i32), assay_prep_idx.astype(i32),
         assay_geometry_idx.astype(i32), assay_readout_idx.astype(i32)], axis=0)
    logit_row = binding_logit.reshape(1, B)
    w1_emb = W1[0:4 * FD]
    w_log = W1[4 * FD:4 * FD + 1]
    w1_mol = W1[4 * FD + 1:]
    return _run(idx4, logit_row, mol_repr, type_table, prep_table, geom_table,
                read_table, w1_emb, w_log, w1_mol,
                b1.reshape(1, CTX), W2, b2.reshape(1, CTX))

# --- scband reference (transcript-rebuilt; emitter-appended) ---
"""Pipeline reference for scband-assay-context-encoder-27943057228521 (READ-ONLY COPY).

The authoritative reference and input builder live on the scoring server;
editing this copy changes nothing except your own understanding.
"""

import jax, jax.numpy as jnp
import numpy as np

B = 16384
FD = 64
CTX = 128
RD = 256
N_TYPE, N_PREP, N_GEOM, N_READ = 16, 8, 8, 8


def setup_inputs(seed: int = 0) -> dict:
    key = jax.random.key(seed)
    ks = jax.random.split(key, 16)
    in_dim = 4 * FD + 1 + RD
    inp = {
        "assay_type_idx": jax.random.randint(ks[0], (B,), 0, N_TYPE, dtype=jnp.int64 if jax.config.jax_enable_x64 else jnp.int32),
        "assay_prep_idx": jax.random.randint(ks[1], (B,), 0, N_PREP),
        "assay_geometry_idx": jax.random.randint(ks[2], (B,), 0, N_GEOM),
        "assay_readout_idx": jax.random.randint(ks[3], (B,), 0, N_READ),
        "binding_logit": jax.random.normal(ks[4], (B,), dtype=jnp.float32),
        "mol_repr": jax.random.normal(ks[5], (B, RD), dtype=jnp.float32),
        "type_table": jax.random.normal(ks[6], (N_TYPE, FD), dtype=jnp.float32),
        "prep_table": jax.random.normal(ks[7], (N_PREP, FD), dtype=jnp.float32),
        "geom_table": jax.random.normal(ks[8], (N_GEOM, FD), dtype=jnp.float32),
        "read_table": jax.random.normal(ks[9], (N_READ, FD), dtype=jnp.float32),
        "W1": jax.random.normal(ks[10], (in_dim, CTX), dtype=jnp.float32) * (1.0 / np.sqrt(in_dim)),
        "b1": jnp.zeros((CTX,), dtype=jnp.float32),
        "W2": jax.random.normal(ks[11], (CTX, CTX), dtype=jnp.float32) * (1.0 / np.sqrt(CTX)),
        "b2": jnp.zeros((CTX,), dtype=jnp.float32),
    }
    return inp


def reference(assay_type_idx, assay_prep_idx, assay_geometry_idx, assay_readout_idx,
              binding_logit, mol_repr,
              type_table, prep_table, geom_table, read_table,
              W1, b1, W2, b2):
    parts = [
        jnp.take(type_table, assay_type_idx, axis=0),
        jnp.take(prep_table, assay_prep_idx, axis=0),
        jnp.take(geom_table, assay_geometry_idx, axis=0),
        jnp.take(read_table, assay_readout_idx, axis=0),
        binding_logit[:, None],
        mol_repr,
    ]
    cat = jnp.concatenate(parts, axis=-1)
    h = jax.nn.gelu(cat @ W1 + b1, approximate=False)
    return h @ W2 + b2

if __name__ == "__main__":
    import jax
    _d = setup_inputs()
    print(jax.jit(kernel)(*tuple(_d.values())))

</pallas_src>

<mosaic_0001>
#map = affine_map<(d0, d1) -> (0, 0)>
#map1 = affine_map<(d0, d1) -> (0)>
module attributes {stable_mosaic.version = 14 : i64} {
  func.func @_sc_gather_body(%arg0: i32, %arg1: i32, %arg2: memref<8192x128xf32, #tpu.memory_space<hbm>>, %arg3: memref<16384xi32, #tpu.memory_space<hbm>>, %arg4: memref<16384x128xf32, #tpu.memory_space<hbm>>, %arg5: memref<512xi32, #tpu.memory_space<vmem>>, %arg6: memref<512x128xf32, #tpu.memory_space<vmem>>, %arg7: memref<!tpu.dma_semaphore, #tpu.memory_space<semaphore_mem>>) attributes {dimension_semantics = [#tpu.dimension_semantics<core_parallel>, #tpu.dimension_semantics<subcore_parallel>], iteration_bounds = array<i64: 2, 16>, scalar_prefetch = 0 : i64, scratch_operands = 3 : i64, tpu.core_type = #tpu.core_type<sc_vector_subcore>, window_params = [{transform_indices = #map}, {transform_indices = #map1}, {transform_indices = #map}]} {
    %mul3A = arith.constant 2 : i32
    %mul3A_0 = arith.muli %arg1, %mul3A : i32
    %add3A = arith.addi %mul3A_0, %arg0 : i32
    %mul3A_1 = arith.constant 512 : i32
    %mul3A_2 = arith.muli %add3A, %mul3A_1 : i32
    "tpu.region"() ({
      %run_scoped3A = tpu.sem_alloc : memref<!tpu.dma_semaphore, #tpu.memory_space<semaphore_mem>>
      %dma_start3A_7 = tpu.memref_slice %arg3[%mul3A_2] : memref<16384xi32, #tpu.memory_space<hbm>> -> memref<512xi32, #tpu.memory_space<hbm>>
      %dma_start3A_8 = tpu.memref_slice %arg3[%mul3A_2] : memref<16384xi32, #tpu.memory_space<hbm>> -> memref<512xi32, #tpu.memory_space<hbm>>
      tpu.enqueue_dma source(%dma_start3A_8 : memref<512xi32, #tpu.memory_space<hbm>>) target(%arg5 : memref<512xi32, #tpu.memory_space<vmem>>) target_semaphore(%run_scoped3A : memref<!tpu.dma_semaphore, #tpu.memory_space<semaphore_mem>>)
      %dma_wait3A_9 = tpu.memref_slice %arg3[%mul3A_2] : memref<16384xi32, #tpu.memory_space<hbm>> -> memref<512xi32, #tpu.memory_space<hbm>>
      %dma_wait3A_10 = tpu.memref_slice %arg3[%mul3A_2] : memref<16384xi32, #tpu.memory_space<hbm>> -> memref<512xi32, #tpu.memory_space<hbm>>
      tpu.wait_dma2 semaphore(%run_scoped3A : memref<!tpu.dma_semaphore, #tpu.memory_space<semaphore_mem>>) src(%dma_wait3A_10 : memref<512xi32, #tpu.memory_space<hbm>>) dst(%arg5 : memref<512xi32, #tpu.memory_space<vmem>>)
      tpu.yield
    }) : () -> ()
    %dma_start3A = arith.constant 0 : i32
    %dma_start3A_3 = arith.constant 0 : i32
    %dma_start3A_4 = tpu.memref_slice %arg2[%dma_start3A, %dma_start3A_3] : memref<8192x128xf32, #tpu.memory_space<hbm>> -> memref<8192x128xf32, #tpu.memory_space<hbm>>
    tpu.enqueue_indirect_dma source(%dma_start3A_4 : memref<8192x128xf32, #tpu.memory_space<hbm>>) target(%arg6 : memref<512x128xf32, #tpu.memory_space<vmem>>) offsets(%arg5 : memref<512xi32, #tpu.memory_space<vmem>>) semaphore(%arg7 : memref<!tpu.dma_semaphore, #tpu.memory_space<semaphore_mem>>)
    %dma_wait3A = arith.constant 0 : i32
    %dma_wait3A_5 = arith.constant 0 : i32
    %dma_wait3A_6 = tpu.memref_slice %arg2[%dma_wait3A, %dma_wait3A_5] : memref<8192x128xf32, #tpu.memory_space<hbm>> -> memref<8192x128xf32, #tpu.memory_space<hbm>>
    tpu.wait_indirect_dma semaphore(%arg7 : memref<!tpu.dma_semaphore, #tpu.memory_space<semaphore_mem>>) src(%dma_wait3A_6 : memref<8192x128xf32, #tpu.memory_space<hbm>>) dst(%arg6 : memref<512x128xf32, #tpu.memory_space<vmem>>)
    "tpu.region"() ({
      %run_scoped3A = tpu.sem_alloc : memref<!tpu.dma_semaphore, #tpu.memory_space<semaphore_mem>>
      %dma_start3A_7 = arith.constant 0 : i32
      %dma_start3A_8 = tpu.memref_slice %arg4[%mul3A_2, %dma_start3A_7] : memref<16384x128xf32, #tpu.memory_space<hbm>> -> memref<512x128xf32, #tpu.memory_space<hbm>>
      %dma_start3A_9 = arith.constant 0 : i32
      %dma_start3A_10 = tpu.memref_slice %arg4[%mul3A_2, %dma_start3A_9] : memref<16384x128xf32, #tpu.memory_space<hbm>> -> memref<512x128xf32, #tpu.memory_space<hbm>>
      tpu.enqueue_dma source(%arg6 : memref<512x128xf32, #tpu.memory_space<vmem>>) target(%dma_start3A_10 : memref<512x128xf32, #tpu.memory_space<hbm>>) target_semaphore(%run_scoped3A : memref<!tpu.dma_semaphore, #tpu.memory_space<semaphore_mem>>)
      %dma_wait3A_11 = arith.constant 0 : i32
      %dma_wait3A_12 = tpu.memref_slice %arg4[%mul3A_2, %dma_wait3A_11] : memref<16384x128xf32, #tpu.memory_space<hbm>> -> memref<512x128xf32, #tpu.memory_space<hbm>>
      %dma_wait3A_13 = arith.constant 0 : i32
      %dma_wait3A_14 = tpu.memref_slice %arg4[%mul3A_2, %dma_wait3A_13] : memref<16384x128xf32, #tpu.memory_space<hbm>> -> memref<512x128xf32, #tpu.memory_space<hbm>>
      tpu.wait_dma2 semaphore(%run_scoped3A : memref<!tpu.dma_semaphore, #tpu.memory_space<semaphore_mem>>) src(%arg6 : memref<512x128xf32, #tpu.memory_space<vmem>>) dst(%dma_wait3A_14 : memref<512x128xf32, #tpu.memory_space<hbm>>)
      tpu.yield
    }) : () -> ()
    return
  }
}

module attributes {stable_mosaic.version = 14 : i64} {
  func.func @_mlp_body(%arg0: i32, %arg1: memref<1x4096xf32, #tpu.memory_space<vmem>>, %arg2: memref<4096x256xf32, #tpu.memory_space<vmem>>, %arg3: memref<4096x128xf32, #tpu.memory_space<vmem>>, %arg4: memref<1x128xf32, #tpu.memory_space<vmem>>, %arg5: memref<256x128xf32, #tpu.memory_space<vmem>>, %arg6: memref<128x128xf32, #tpu.memory_space<vmem>>, %arg7: memref<1x128xf32, #tpu.memory_space<vmem>>, %arg8: memref<4096x128xf32, #tpu.memory_space<vmem>>) attributes {dimension_semantics = [#tpu.dimension_semantics<arbitrary>], iteration_bounds = array<i64: 4>, scalar_prefetch = 0 : i64, scratch_operands = 0 : i64, tpu.core_type = #tpu.core_type<tc>, window_params = [{transform_indices = @transform_0, window_bounds = array<i64: 1, 4096>}, {transform_indices = @transform_1, window_bounds = array<i64: 4096, 256>}, {transform_indices = @transform_2, window_bounds = array<i64: 4096, 128>}, {pipeline_mode = #tpu.pipeline_mode<synchronous>, transform_indices = @transform_3, window_bounds = array<i64: 1, 128>}, {pipeline_mode = #tpu.pipeline_mode<synchronous>, transform_indices = @transform_4, window_bounds = array<i64: 256, 128>}, {pipeline_mode = #tpu.pipeline_mode<synchronous>, transform_indices = @transform_5, window_bounds = array<i64: 128, 128>}, {pipeline_mode = #tpu.pipeline_mode<synchronous>, transform_indices = @transform_6, window_bounds = array<i64: 1, 128>}, {transform_indices = @transform_7, window_bounds = array<i64: 4096, 128>}]} {
    %get3A = arith.constant 0 : index
    %get3A_0 = arith.constant 0 : index
    %get3A_1 = vector.load %arg2[%get3A, %get3A_0] : memref<4096x256xf32, #tpu.memory_space<vmem>>, vector<4096x256xf32>
    %get3A_2 = arith.constant 0 : index
    %get3A_3 = arith.constant 0 : index
    %get3A_4 = vector.load %arg5[%get3A_2, %get3A_3] : memref<256x128xf32, #tpu.memory_space<vmem>>, vector<256x128xf32>
    %dot_general3A = arith.constant dense<0.000000e+00> : vector<4096x128xf32>
    %dot_general3A_5 = tpu.matmul %get3A_1, %get3A_4, %dot_general3A {dimension_numbers = #tpu.dot_dimension_numbers<[1], [0], [0], [1], [0, 0, 1, 1], [], []>, transpose_lhs_hint = false} : vector<4096x256xf32>, vector<256x128xf32>, vector<4096x128xf32> -> vector<4096x128xf32>
    %get3A_6 = arith.constant 0 : index
    %get3A_7 = arith.constant 0 : index
    %get3A_8 = vector.load %arg1[%get3A_6, %get3A_7] : memref<1x4096xf32, #tpu.memory_space<vmem>>, vector<1x4096xf32>
    %get3A_9 = arith.constant 0 : index
    %get3A_10 = arith.constant 0 : index
    %get3A_11 = vector.load %arg4[%get3A_9, %get3A_10] : memref<1x128xf32, #tpu.memory_space<vmem>>, vector<1x128xf32>
    %dot_general3A_12 = arith.constant dense<0.000000e+00> : vector<4096x128xf32>
    %dot_general3A_13 = tpu.matmul %get3A_8, %get3A_11, %dot_general3A_12 {dimension_numbers = #tpu.dot_dimension_numbers<[0], [0], [1], [1], [0, 1, 1, 1], [], []>, transpose_lhs_hint = false} : vector<1x4096xf32>, vector<1x128xf32>, vector<4096x128xf32> -> vector<4096x128xf32>
    %add3A = arith.addf %dot_general3A_5, %dot_general3A_13 : vector<4096x128xf32>
    %get3A_14 = arith.constant 0 : index
    %get3A_15 = arith.constant 0 : index
    %get3A_16 = vector.load %arg3[%get3A_14, %get3A_15] : memref<4096x128xf32, #tpu.memory_space<vmem>>, vector<4096x128xf32>
    %add3A_17 = arith.addf %add3A, %get3A_16 : vector<4096x128xf32>
    %mul3A = arith.constant 5.000000e-01 : f32
    %mul3A_18 = vector.broadcast %mul3A : f32 to vector<4096x128xf32>
    %mul3A_19 = arith.mulf %mul3A_18, %add3A_17 : vector<4096x128xf32>
    %mul3A_20 = arith.constant 0.707106769 : f32
    %mul3A_21 = vector.broadcast %mul3A_20 : f32 to vector<4096x128xf32>
    %mul3A_22 = arith.mulf %add3A_17, %mul3A_21 : vector<4096x128xf32>
    %erf3A = math.erf %mul3A_22 : vector<4096x128xf32>
    %add3A_23 = arith.constant 1.000000e+00 : f32
    %add3A_24 = vector.broadcast %add3A_23 : f32 to vector<4096x128xf32>
    %add3A_25 = arith.addf %add3A_24, %erf3A : vector<4096x128xf32>
    %mul3A_26 = arith.mulf %mul3A_19, %add3A_25 : vector<4096x128xf32>
    %get3A_27 = arith.constant 0 : index
    %get3A_28 = arith.constant 0 : index
    %get3A_29 = vector.load %arg6[%get3A_27, %get3A_28] : memref<128x128xf32, #tpu.memory_space<vmem>>, vector<128x128xf32>
    %dot_general3A_30 = arith.constant dense<0.000000e+00> : vector<4096x128xf32>
    %dot_general3A_31 = tpu.matmul %mul3A_26, %get3A_29, %dot_general3A_30 {dimension_numbers = #tpu.dot_dimension_numbers<[1], [0], [0], [1], [0, 0, 1, 1], [], []>, transpose_lhs_hint = false} : vector<4096x128xf32>, vector<128x128xf32>, vector<4096x128xf32> -> vector<4096x128xf32>
    %get3A_32 = arith.constant 0 : index
    %get3A_33 = arith.constant 0 : index
    %get3A_34 = vector.load %arg7[%get3A_32, %get3A_33] : memref<1x128xf32, #tpu.memory_space<vmem>>, vector<1x128xf32>
    %add3A_35 = vector.broadcast %get3A_34 : vector<1x128xf32> to vector<4096x128xf32>
    %add3A_36 = arith.addf %dot_general3A_31, %add3A_35 : vector<4096x128xf32>
    %swap3A = arith.constant 0 : index
    %swap3A_37 = arith.constant 0 : index
    %swap3A_38 = vector.load %arg8[%swap3A, %swap3A_37] : memref<4096x128xf32, #tpu.memory_space<vmem>>, vector<4096x128xf32>
    tpu.vector_store %arg8[%swap3A, %swap3A_37], %add3A_36 {strides = array<i32>} : memref<4096x128xf32, #tpu.memory_space<vmem>>, vector<4096x128xf32>,
    return
  }
  func.func @transform_0(%arg0: i32) -> (i32, i32) {
    %c0_i32 = arith.constant 0 : i32
    %c0_i32_0 = arith.constant 0 : i32
    return %c0_i32, %arg0 : i32, i32
  }
  func.func @transform_1(%arg0: i32) -> (i32, i32) {
    %c0_i32 = arith.constant 0 : i32
    %c0_i32_0 = arith.constant 0 : i32
    return %arg0, %c0_i32 : i32, i32
  }
  func.func @transform_2(%arg0: i32) -> (i32, i32) {
    %c0_i32 = arith.constant 0 : i32
    %c0_i32_0 = arith.constant 0 : i32
    return %arg0, %c0_i32 : i32, i32
  }
  func.func @transform_3(%arg0: i32) -> (i32, i32) {
    %c0_i32 = arith.constant 0 : i32
    %c0_i32_0 = arith.constant 0 : i32
    %c0_i32_1 = arith.constant 0 : i32
    return %c0_i32, %c0_i32_0 : i32, i32
  }
  func.func @transform_4(%arg0: i32) -> (i32, i32) {
    %c0_i32 = arith.constant 0 : i32
    %c0_i32_0 = arith.constant 0 : i32
    %c0_i32_1 = arith.constant 0 : i32
    return %c0_i32, %c0_i32_0 : i32, i32
  }
  func.func @transform_5(%arg0: i32) -> (i32, i32) {
    %c0_i32 = arith.constant 0 : i32
    %c0_i32_0 = arith.constant 0 : i32
    %c0_i32_1 = arith.constant 0 : i32
    return %c0_i32, %c0_i32_0 : i32, i32
  }
  func.func @transform_6(%arg0: i32) -> (i32, i32) {
    %c0_i32 = arith.constant 0 : i32
    %c0_i32_0 = arith.constant 0 : i32
    %c0_i32_1 = arith.constant 0 : i32
    return %c0_i32, %c0_i32_0 : i32, i32
  }
  func.func @transform_7(%arg0: i32) -> (i32, i32) {
    %c0_i32 = arith.constant 0 : i32
    %c0_i32_0 = arith.constant 0 : i32
    return %arg0, %c0_i32 : i32, i32
  }
}

module attributes {stable_mosaic.version = 14 : i64} {
  func.func @_prep_body(%arg0: i32, %arg1: memref<4x16384xi32, #tpu.memory_space<vmem>>, %arg2: memref<16x64xf32, #tpu.memory_space<vmem>>, %arg3: memref<8x64xf32, #tpu.memory_space<vmem>>, %arg4: memref<8x64xf32, #tpu.memory_space<vmem>>, %arg5: memref<8x64xf32, #tpu.memory_space<vmem>>, %arg6: memref<256x128xf32, #tpu.memory_space<vmem>>, %arg7: memref<1x128xf32, #tpu.memory_space<vmem>>, %arg8: memref<8192x128xf32, #tpu.memory_space<vmem>>, %arg9: memref<1x16384xi32, #tpu.memory_space<vmem>>) attributes {dimension_semantics = [#tpu.dimension_semantics<arbitrary>], iteration_bounds = array<i64: 1>, scalar_prefetch = 0 : i64, scratch_operands = 0 : i64, tpu.core_type = #tpu.core_type<tc>, window_params = [{pipeline_mode = #tpu.pipeline_mode<synchronous>, transform_indices = @transform_0, window_bounds = array<i64: 4, 16384>}, {pipeline_mode = #tpu.pipeline_mode<synchronous>, transform_indices = @transform_1, window_bounds = array<i64: 16, 64>}, {pipeline_mode = #tpu.pipeline_mode<synchronous>, transform_indices = @transform_2, window_bounds = array<i64: 8, 64>}, {pipeline_mode = #tpu.pipeline_mode<synchronous>, transform_indices = @transform_3, window_bounds = array<i64: 8, 64>}, {pipeline_mode = #tpu.pipeline_mode<synchronous>, transform_indices = @transform_4, window_bounds = array<i64: 8, 64>}, {pipeline_mode = #tpu.pipeline_mode<synchronous>, transform_indices = @transform_5, window_bounds = array<i64: 256, 128>}, {pipeline_mode = #tpu.pipeline_mode<synchronous>, transform_indices = @transform_6, window_bounds = array<i64: 1, 128>}, {pipeline_mode = #tpu.pipeline_mode<synchronous>, transform_indices = @transform_7, window_bounds = array<i64: 8192, 128>}, {pipeline_mode = #tpu.pipeline_mode<synchronous>, transform_indices = @transform_8, window_bounds = array<i64: 1, 16384>}]} {
    %get3A = arith.constant 0 : index
    %get3A_0 = arith.constant 0 : index
    %get3A_1 = vector.load %arg2[%get3A, %get3A_0] : memref<16x64xf32, #tpu.memory_space<vmem>>, vector<16x64xf32>
    %get3A_2 = arith.constant 0 : index
    %get3A_3 = arith.constant 0 : index
    %get3A_4 = vector.load %arg6[%get3A_2, %get3A_3] : memref<256x128xf32, #tpu.memory_space<vmem>>, vector<64x128xf32>
    %dot_general3A = arith.constant dense<0.000000e+00> : vector<16x128xf32>
    %dot_general3A_5 = tpu.matmul %get3A_1, %get3A_4, %dot_general3A {dimension_numbers = #tpu.dot_dimension_numbers<[1], [0], [0], [1], [0, 0, 1, 1], [], []>, transpose_lhs_hint = false} : vector<16x64xf32>, vector<64x128xf32>, vector<16x128xf32> -> vector<16x128xf32>
    %get3A_6 = arith.constant 0 : index
    %get3A_7 = arith.constant 0 : index
    %get3A_8 = vector.load %arg3[%get3A_6, %get3A_7] : memref<8x64xf32, #tpu.memory_space<vmem>>, vector<8x64xf32>
    %get3A_9 = arith.constant 64 : index
    %get3A_10 = arith.constant 0 : index
    %get3A_11 = vector.load %arg6[%get3A_9, %get3A_10] : memref<256x128xf32, #tpu.memory_space<vmem>>, vector<64x128xf32>
    %dot_general3A_12 = arith.constant dense<0.000000e+00> : vector<8x128xf32>
    %dot_general3A_13 = tpu.matmul %get3A_8, %get3A_11, %dot_general3A_12 {dimension_numbers = #tpu.dot_dimension_numbers<[1], [0], [0], [1], [0, 0, 1, 1], [], []>, transpose_lhs_hint = false} : vector<8x64xf32>, vector<64x128xf32>, vector<8x128xf32> -> vector<8x128xf32>
    %get3A_14 = arith.constant 0 : index
    %get3A_15 = arith.constant 0 : index
    %get3A_16 = vector.load %arg4[%get3A_14, %get3A_15] : memref<8x64xf32, #tpu.memory_space<vmem>>, vector<8x64xf32>
    %get3A_17 = arith.constant 128 : index
    %get3A_18 = arith.constant 0 : index
    %get3A_19 = vector.load %arg6[%get3A_17, %get3A_18] : memref<256x128xf32, #tpu.memory_space<vmem>>, vector<64x128xf32>
    %dot_general3A_20 = arith.constant dense<0.000000e+00> : vector<8x128xf32>
    %dot_general3A_21 = tpu.matmul %get3A_16, %get3A_19, %dot_general3A_20 {dimension_numbers = #tpu.dot_dimension_numbers<[1], [0], [0], [1], [0, 0, 1, 1], [], []>, transpose_lhs_hint = false} : vector<8x64xf32>, vector<64x128xf32>, vector<8x128xf32> -> vector<8x128xf32>
    %get3A_22 = arith.constant 0 : index
    %get3A_23 = arith.constant 0 : index
    %get3A_24 = vector.load %arg5[%get3A_22, %get3A_23] : memref<8x64xf32, #tpu.memory_space<vmem>>, vector<8x64xf32>
    %get3A_25 = arith.constant 192 : index
    %get3A_26 = arith.constant 0 : index
    %get3A_27 = vector.load %arg6[%get3A_25, %get3A_26] : memref<256x128xf32, #tpu.memory_space<vmem>>, vector<64x128xf32>
    %dot_general3A_28 = arith.constant dense<0.000000e+00> : vector<8x128xf32>
    %dot_general3A_29 = tpu.matmul %get3A_24, %get3A_27, %dot_general3A_28 {dimension_numbers = #tpu.dot_dimension_numbers<[1], [0], [0], [1], [0, 0, 1, 1], [], []>, transpose_lhs_hint = false} : vector<8x64xf32>, vector<64x128xf32>, vector<8x128xf32> -> vector<8x128xf32>
    %broadcast_in_dim3A = vector.shape_cast %dot_general3A_5 : vector<16x128xf32> to vector<16x1x128xf32>
    %broadcast_in_dim3A_30 = vector.shape_cast %dot_general3A_13 : vector<8x128xf32> to vector<1x8x128xf32>
    %add3A = vector.broadcast %broadcast_in_dim3A : vector<16x1x128xf32> to vector<16x8x128xf32>
    %add3A_31 = vector.broadcast %broadcast_in_dim3A_30 : vector<1x8x128xf32> to vector<16x8x128xf32>
    %add3A_32 = arith.addf %add3A, %add3A_31 : vector<16x8x128xf32>
    %reshape3A = vector.shape_cast %add3A_32 : vector<16x8x128xf32> to vector<128x128xf32>
    %broadcast_in_dim3A_33 = vector.shape_cast %dot_general3A_21 : vector<8x128xf32> to vector<8x1x128xf32>
    %broadcast_in_dim3A_34 = vector.shape_cast %dot_general3A_29 : vector<8x128xf32> to vector<1x8x128xf32>
    %add3A_35 = vector.broadcast %broadcast_in_dim3A_33 : vector<8x1x128xf32> to vector<8x8x128xf32>
    %add3A_36 = vector.broadcast %broadcast_in_dim3A_34 : vector<1x8x128xf32> to vector<8x8x128xf32>
    %add3A_37 = arith.addf %add3A_35, %add3A_36 : vector<8x8x128xf32>
    %reshape3A_38 = vector.shape_cast %add3A_37 : vector<8x8x128xf32> to vector<64x128xf32>
    %broadcast_in_dim3A_39 = vector.shape_cast %reshape3A : vector<128x128xf32> to vector<128x1x128xf32>
    %broadcast_in_dim3A_40 = vector.shape_cast %reshape3A_38 : vector<64x128xf32> to vector<1x64x128xf32>
    %add3A_41 = vector.broadcast %broadcast_in_dim3A_39 : vector<128x1x128xf32> to vector<128x64x128xf32>
    %add3A_42 = vector.broadcast %broadcast_in_dim3A_40 : vector<1x64x128xf32> to vector<128x64x128xf32>
    %add3A_43 = arith.addf %add3A_41, %add3A_42 : vector<128x64x128xf32>
    %reshape3A_44 = vector.shape_cast %add3A_43 : vector<128x64x128xf32> to vector<8192x128xf32>
    %get3A_45 = arith.constant 0 : index
    %get3A_46 = arith.constant 0 : index
    %get3A_47 = vector.load %arg7[%get3A_45, %get3A_46] : memref<1x128xf32, #tpu.memory_space<vmem>>, vector<1x128xf32>
    %add3A_48 = vector.broadcast %get3A_47 : vector<1x128xf32> to vector<8192x128xf32>
    %add3A_49 = arith.addf %reshape3A_44, %add3A_48 : vector<8192x128xf32>
    %swap3A = arith.constant 0 : index
    %swap3A_50 = arith.constant 0 : index
    %swap3A_51 = vector.load %arg8[%swap3A, %swap3A_50] : memref<8192x128xf32, #tpu.memory_space<vmem>>, vector<8192x128xf32>
    tpu.vector_store %arg8[%swap3A, %swap3A_50], %add3A_49 {strides = array<i32>} : memref<8192x128xf32, #tpu.memory_space<vmem>>, vector<8192x128xf32>,
    %get3A_52 = arith.constant 0 : index
    %get3A_53 = arith.constant 0 : index
    %get3A_54 = vector.load %arg1[%get3A_52, %get3A_53] : memref<4x16384xi32, #tpu.memory_space<vmem>>, vector<1x16384xi32>
    %mul3A = arith.constant 512 : i32
    %mul3A_55 = vector.broadcast %mul3A : i32 to vector<1x16384xi32>
    %mul3A_56 = arith.muli %get3A_54, %mul3A_55 : vector<1x16384xi32>
    %get3A_57 = arith.constant 1 : index
    %get3A_58 = arith.constant 0 : index
    %get3A_59 = vector.load %arg1[%get3A_57, %get3A_58] : memref<4x16384xi32, #tpu.memory_space<vmem>>, vector<1x16384xi32>
    %mul3A_60 = arith.constant 64 : i32
    %mul3A_61 = vector.broadcast %mul3A_60 : i32 to vector<1x16384xi32>
    %mul3A_62 = arith.muli %get3A_59, %mul3A_61 : vector<1x16384xi32>
    %add3A_63 = arith.addi %mul3A_56, %mul3A_62 : vector<1x16384xi32>
    %get3A_64 = arith.constant 2 : index
    %get3A_65 = arith.constant 0 : index
    %get3A_66 = vector.load %arg1[%get3A_64, %get3A_65] : memref<4x16384xi32, #tpu.memory_space<vmem>>, vector<1x16384xi32>
    %mul3A_67 = arith.constant 8 : i32
    %mul3A_68 = vector.broadcast %mul3A_67 : i32 to vector<1x16384xi32>
    %mul3A_69 = arith.muli %get3A_66, %mul3A_68 : vector<1x16384xi32>
    %add3A_70 = arith.addi %add3A_63, %mul3A_69 : vector<1x16384xi32>
    %get3A_71 = arith.constant 3 : index
    %get3A_72 = arith.constant 0 : index
    %get3A_73 = vector.load %arg1[%get3A_71, %get3A_72] : memref<4x16384xi32, #tpu.memory_space<vmem>>, vector<1x16384xi32>
    %add3A_74 = arith.addi %add3A_70, %get3A_73 : vector<1x16384xi32>
    %swap3A_75 = arith.constant 0 : index
    %swap3A_76 = arith.constant 0 : index
    %swap3A_77 = vector.load %arg9[%swap3A_75, %swap3A_76] : memref<1x16384xi32, #tpu.memory_space<vmem>>, vector<1x16384xi32>
    tpu.vector_store %arg9[%swap3A_75, %swap3A_76], %add3A_74 {strides = array<i32>} : memref<1x16384xi32, #tpu.memory_space<vmem>>, vector<1x16384xi32>,
    return
  }
  func.func @transform_0(%arg0: i32) -> (i32, i32) {
    %c0_i32 = arith.constant 0 : i32
    %c0_i32_0 = arith.constant 0 : i32
    %c0_i32_1 = arith.constant 0 : i32
    return %c0_i32, %c0_i32_0 : i32, i32
  }
  func.func @transform_1(%arg0: i32) -> (i32, i32) {
    %c0_i32 = arith.constant 0 : i32
    %c0_i32_0 = arith.constant 0 : i32
    %c0_i32_1 = arith.constant 0 : i32
    return %c0_i32, %c0_i32_0 : i32, i32
  }
  func.func @transform_2(%arg0: i32) -> (i32, i32) {
    %c0_i32 = arith.constant 0 : i32
    %c0_i32_0 = arith.constant 0 : i32
    %c0_i32_1 = arith.constant 0 : i32
    return %c0_i32, %c0_i32_0 : i32, i32
  }
  func.func @transform_3(%arg0: i32) -> (i32, i32) {
    %c0_i32 = arith.constant 0 : i32
    %c0_i32_0 = arith.constant 0 : i32
    %c0_i32_1 = arith.constant 0 : i32
    return %c0_i32, %c0_i32_0 : i32, i32
  }
  func.func @transform_4(%arg0: i32) -> (i32, i32) {
    %c0_i32 = arith.constant 0 : i32
    %c0_i32_0 = arith.constant 0 : i32
    %c0_i32_1 = arith.constant 0 : i32
    return %c0_i32, %c0_i32_0 : i32, i32
  }
  func.func @transform_5(%arg0: i32) -> (i32, i32) {
    %c0_i32 = arith.constant 0 : i32
    %c0_i32_0 = arith.constant 0 : i32
    %c0_i32_1 = arith.constant 0 : i32
    return %c0_i32, %c0_i32_0 : i32, i32
  }
  func.func @transform_6(%arg0: i32) -> (i32, i32) {
    %c0_i32 = arith.constant 0 : i32
    %c0_i32_0 = arith.constant 0 : i32
    %c0_i32_1 = arith.constant 0 : i32
    return %c0_i32, %c0_i32_0 : i32, i32
  }
  func.func @transform_7(%arg0: i32) -> (i32, i32) {
    %c0_i32 = arith.constant 0 : i32
    %c0_i32_0 = arith.constant 0 : i32
    %c0_i32_1 = arith.constant 0 : i32
    return %c0_i32, %c0_i32_0 : i32, i32
  }
  func.func @transform_8(%arg0: i32) -> (i32, i32) {
    %c0_i32 = arith.constant 0 : i32
    %c0_i32_0 = arith.constant 0 : i32
    %c0_i32_1 = arith.constant 0 : i32
    return %c0_i32, %c0_i32_0 : i32, i32
  }
}

</mosaic_0001>

<sc_bundles>
// kernel: _run.5.cloned.1.call-start
scs
__scs_entry_jumppad:
0x0: {  	(pc) =	sbr.rel $0x88, $3  }
0x1: {  	(tag) =	ssettag $0x0;
	lr =	simm.s32 $0x1  }
0x2: {  	[smem:$0x3F94] =	sst lr;
	_ =	strace $0xD0000000  }
0x3: {  	_ = 	snop  }
0x4: {  	_ = 	snop  }
0x5: {  	_ = 	snop  }
0x6: {  	_ = 	snop  }
0x7: {  	_ = 	snop  }
__scs_overlays_trampoline_lowered:
0x8: {  	[smem:$0x3FA3] =	sst s0  }
0x9: {  	[smem:$0x3FA4] =	sst s1  }
0xa: {  	[smem:$0x3FA5] =	sst s2  }
0xb: {  	[smem:$0x3FA6] =	sst s3  }
0xc: {  	[smem:$0x3FA7] =	sst s4  }
0xd: {  	[smem:$0x3FA8] =	sst s5  }
0xe: {  	[smem:$0x3FA9] =	sst s6  }
0xf: {  	[smem:$0x3FAA] =	sst s7  }
0x10: {  	[smem:$0x3FAB] =	sst s8  }
0x11: {  	[smem:$0x3FAC] =	sst s9;
	s0 =	simm.s32 @!p0 $0x0  }
0x12: {  	s1 =	sld [smem:$0x3F92];
	s0 =	simm.s32 @p0 $0x1  }
0x13: {  	[smem:$0x3FAD] =	sst s0;
	s0 =	simm.s32 @!p1 $0x0  }
0x14: {  	s2 =	sld [smem:$0x3F91];
	s0 =	simm.s32 @p1 $0x1  }
0x15: {  	[smem:$0x3FAE] =	sst s0;
	s0 =	simm.s32 @!p2 $0x0  }
0x16: {  	s3 =	sld [smem:$0x3FDB];
	s0 =	simm.s32 @p2 $0x1  }
0x17: {  	s4 =	simm.s32 $0x1BF5;
	[smem:$0x3FB0] =	sst s0  }
0x18: {  	s0 =	sld [smem:$0x3F93];
	_ =	swait.ge [sflag:s4], $0x0  }
0x19: {  	s7 =	sld [smem:$0x3F94]  }
0x1a: {  	s8 =	sadd.s32 $0xFFFFE003, lr  }
0x1b: {  	s9 =	sadd.s32 $0xFFFFFEF7, lr;
	s5 =	simm.s32 $0xFFFFFFFF;
	p2 =	slt.u32 s8, $0xFFFFF086  }
0x1c: {  	p1 =	slt.u32 s9, $0xF7A;
	s5 =	simm.s32 @!p2 $0x0  }
0x1d: {  	s5 =	simm.s32 @p1 $0x1;
	p0 =	seq.s32 s7, s2  }
0x1e: {  	s7 =	smul.u32 @!p0 $0xF7A, s2;
	p2 =	seq.s32 @!p0 s5, $0x0  }
0x1f: {  	s9 =	smul.u32 $0xF7A, s1;
	s8 =	simm.s32 @!p0 $0x1BF5;
	p2 =	por !p2, p0  }
0x20: {  	[sflag:s8] =	ssyncset.s32 @!p0 $0xFFFFF086;
	s6 =	sadd.s32 @!p0 s3, s7;
	s7 =	simm.s32 @!p0 $0x108  }
0x21: {  	s3 =	sadd.s32 s3, s9;
	s6 =	sadd.s32 @!p0 $0x88, s6;
	s7 =	simm.s32 @p2 $0x1082  }
0x22: {  	[simem:s7], [sflag:s8] =	dma.local @!p0 [hbm:s6], $0xF7A  }
0x23: {  	s9 =	sor.u32 $0xD0000000, s2;
	s6 =	simm.s32 $0x108;
	_ =	swait.ge @!p0 [sflag:s8], $0x0  }
0x24: {  	s3 =	sadd.s32 $0x88, s3;
	s6 =	simm.s32 @!p1 $0x1082;
	[sflag:s4] =	ssyncset.s32 $0xFFFFF086  }
0x25: {  	[simem:s6], [sflag:s4] =	dma.local [hbm:s3], $0xF7A  }
0x26: {  	[smem:$0x3F94] =	sst s1;
	(tag) =	ssettag s2;
	_ =	strace s9  }
0x27: {  	s1 =	sld [smem:$0x3FA4]  }
0x28: {  	s2 =	sld [smem:$0x3FA5]  }
0x29: {  	s4 =	sld [smem:$0x3FA7]  }
0x2a: {  	p0 =	seq.s32 s5, $0x0;
	s5 =	sld [smem:$0x3FA8]  }
0x2b: {  	s6 =	sld [smem:$0x3FA9]  }
0x2c: {  	s7 =	sld [smem:$0x3FAA]  }
0x2d: {  	s3 =	simm.s32 $0x108;
	s8 =	sld [smem:$0x3FAB]  }
0x2e: {  	s3 =	simm.s32 @!p0 $0x1082;
	s9 =	sld [smem:$0x3FAC]  }
0x2f: {  	lr =	sadd.s32 s0, s3;
	s0 =	sld [smem:$0x3FA3]  }
0x30: {  	s3 =	sld [smem:$0x3FA6]  }
0x31: {  	[smem:$0x3FAF] =	sst s10  }
0x32: {  	s10 =	sld [smem:$0x3FAD];
	_ =	sdelay $0x3  }
0x33: {  	p0 =	seq.s32 s10, $0x1;
	s10 =	sld [smem:$0x3FAF];
	_ =	sdelay $0x3  }
0x34: {  	[smem:$0x3FAF] =	sst s10  }
0x35: {  	s10 =	sld [smem:$0x3FAE];
	_ =	sdelay $0x3  }
0x36: {  	p1 =	seq.s32 s10, $0x1;
	s10 =	sld [smem:$0x3FAF];
	_ =	sdelay $0x3  }
0x37: {  	[smem:$0x3FAF] =	sst s10  }
0x38: {  	s10 =	sld [smem:$0x3FB0]  }
0x39: {  	_ = 	snop;
	(pc) =	sbr.ind lr, $3  }
0x3a: {  	_ = 	snop  }
0x3b: {  	_ = 	snop  }
0x3c: {  	p2 =	seq.s32 s10, $0x1;
	s10 =	sld [smem:$0x3FAF]  }
0x3d: {  	_ =	shalt  }
0x3e: {  	_ =	shalt  }
0x3f: {  	_ =	shalt  }
0x40: {  	_ =	shalt  }
0x41: {  	_ =	shalt  }
0x42: {  	_ =	shalt  }
0x43: {  	_ =	shalt  }
0x44: {  	_ =	shalt  }
0x45: {  	_ =	shalt  }
0x46: {  	_ =	shalt  }
0x47: {  	_ =	shalt  }
0x48: {  	_ =	shalt  }
0x49: {  	_ =	shalt  }
0x4a: {  	_ =	shalt  }
0x4b: {  	_ =	shalt  }
0x4c: {  	_ =	shalt  }
0x4d: {  	_ =	shalt  }
0x4e: {  	_ =	shalt  }
0x4f: {  	_ =	shalt  }
0x50: {  	_ =	shalt  }
0x51: {  	_ =	shalt  }
0x52: {  	_ =	shalt  }
0x53: {  	_ =	shalt  }
0x54: {  	_ =	shalt  }
0x55: {  	_ =	shalt  }
0x56: {  	_ =	shalt  }
0x57: {  	_ =	shalt  }
0x58: {  	_ =	shalt  }
0x59: {  	_ =	shalt  }
0x5a: {  	_ =	shalt  }
0x5b: {  	_ =	shalt  }
0x5c: {  	_ =	shalt  }
0x5d: {  	_ =	shalt  }
0x5e: {  	_ =	shalt  }
0x5f: {  	_ =	shalt  }
0x60: {  	_ =	shalt  }
0x61: {  	_ =	shalt  }
0x62: {  	_ =	shalt  }
0x63: {  	_ =	shalt  }
0x64: {  	_ =	shalt  }
0x65: {  	_ =	shalt  }
0x66: {  	_ =	shalt  }
0x67: {  	_ =	shalt  }
0x68: {  	_ =	shalt  }
0x69: {  	_ =	shalt  }
0x6a: {  	_ =	shalt  }
0x6b: {  	_ =	shalt  }
0x6c: {  	_ =	shalt  }
0x6d: {  	_ =	shalt  }
0x6e: {  	_ =	shalt  }
0x6f: {  	_ =	shalt  }
0x70: {  	_ =	shalt  }
0x71: {  	_ =	shalt  }
0x72: {  	_ =	shalt  }
0x73: {  	_ =	shalt  }
0x74: {  	_ =	shalt  }
0x75: {  	_ =	shalt  }
0x76: {  	_ =	shalt  }
0x77: {  	_ =	shalt  }
0x78: {  	_ =	shalt  }
0x79: {  	_ =	shalt  }
0x7a: {  	_ =	shalt  }
0x7b: {  	_ =	shalt  }
0x7c: {  	_ =	shalt  }
0x7d: {  	_ =	shalt  }
0x7e: {  	_ =	shalt  }
0x7f: {  	_ =	shalt  }
0x80: {  	_ =	shalt  }
0x81: {  	_ =	shalt  }
0x82: {  	_ =	shalt  }
0x83: {  	_ =	shalt  }
0x84: {  	_ =	shalt  }
0x85: {  	_ =	shalt  }
0x86: {  	_ =	shalt  }
0x87: {  	_ =	shalt  }
.Lfunc_end0:
.L_simem_size_0:
called_computation_lowered:
.L_overlay_start_0:
0x88: {  	s2 =	sld [smem:$0x3FD9]  }
0x89: {  	s3 =	sld [smem:$0x3FFE];
	_ =	sdelay $0x1  }
0x8a: {  	s1 =	srdreg.scid  }
0x8b: {  	s0 =	sand.u32 $0x1, s1  }
0x8c: {  	s17 =	sshll.u32 s0, $0xA;
	s2 =	sadd.s32 s3, s2  }
0x8d: {  	s2 =	sadd.s32 s2, s17  }
0x8e: {  	[smem:$0x3FBB] =	sst s2  }
0x8f: {  	_ = 	snop  }
0x90: {  	s2 =	sld [smem:$0x3FD0];
	(tm) =	ssettm $0x1  }
0x91: {  	s18 =	sld [smem:$0x3FFB];
	_ =	sdelay $0x3  }
0x92: {  	_ =	strace s18  }
0x93: {  	s3 =	sld [smem:$0x3FFC];
	_ =	sdelay $0x3  }
0x94: {  	_ =	strace s3  }
0x95: {  	s3 =	sld [smem:$0x3FFD];
	_ =	sdelay $0x3  }
0x96: {  	_ =	strace s3  }
0x97: {  	_ =	strace $0x8FFFFFFF  }
0x98: {  	s19 =	sld [smem:$0x3FDB];
	_ =	sdelay $0x1  }
0x99: {  	s4 =	simm.s32 $_scs_section_size  }
0x9a: {  	s5 =	simm.s32 $_size__tile_overlayer_lowered;
	s6 =	simm.s32 $_tile_overlayer_lowered  }
0x9b: {  	s22 =	simm.s32 $0x1BFF;
	s21 =	sshll.u32 s6, $0x1;
	s3 =	sadd.s32 s4, s19  }
0x9c: {  	s7 =	simm.s32 $0x0;
	s20 =	sshll.u32 s5, $0x1;
	s5 =	sadd.s32 s21, s3  }
0x9d: {  	[timem:s7], [sflag:s22] =	dma.local [hbm:s5], s20  }
0x9e: {  	_ =	swait.ge [sflag:s22], s20  }
0x9f: {  	s4 =	ssub.s32 $0x0, s20;
	[sflag:s22] =	ssyncset.done $0x0  }
0xa0: {  	[sflag:s22] =	ssyncadd.s32 s4;
	_ =	sdelay $0x1  }
0xa1: {  	s23 =	simm.s32 $0x1B8B  }
0xa2: {  	_ =	swait.ge [sflag:s23], $0x1  }
0xa3: {  	[sflag:s23] =	ssyncset.done $0x0  }
0xa4: {  	s25 =	simm.s32 $0x1B8E;
	s24 =	sld [smem:$0x3FFE];
	[sflag:s23] =	ssyncadd.s32 $0xFFFFFFFF  }
0xa5: {  	s26 =	simm.s32 $execute0_lowered;
	[smem:$0x3FD2] =	sst s25  }
0xa6: {  	s5 =	sshll.u32 s26, $0x1;
	_ =	strace $0x80000046;
	[dreg:$0x1] =	wrdreg $0xFFFFFFFF  }
0xa7: {  	s28 =	simm.s32 $_size_execute0_lowered;
	s3 =	sadd.s32 s3, s5;
	[dreg:$0x0] =	wrdreg $0x0  }
0xa8: {  	s5 =	sshll.u32 s28, $0x1;
	[dreg:$0x2] =	wrdreg s3  }
0xa9: {  	[dreg:$0x3] =	wrdreg s5  }
0xaa: {  	[dreg:$0x4] =	wrdreg $0xC0  }
0xab: {  	_ =	task [dreg:s7], $0x5FFFF  }
0xac: {  	[dreg:$0x1] =	wrdreg $0xFFFFFFFF  }
0xad: {  	[dreg:$0x0] =	wrdreg $0x60  }
0xae: {  	[dreg:$0x2] =	wrdreg s24  }
0xaf: {  	[dreg:$0x3] =	wrdreg s2  }
0xb0: {  	[dreg:$0x4] =	wrdreg $0x9  }
0xb1: {  	_ =	task.clear_ibuf [dreg:s7], $0x5FFFF;
	_ =	strace $0x90000046  }
0xb2: {  	s29 =	simm.s32 $0x9;
	_ =	strace $0x80000048  }
0xb3: {  	_ =	swait.ge [sflag:s29], $0x1  }
0xb4: {  	[sflag:s29] =	ssyncadd.s32 $0xFFFFFFFF  }
0xb5: {  	_ =	strace $0x90000048  }
0xb6: {  	_ =	sfence  }
0xb7: {  	s30 =	sld [smem:$0x0];
	_ =	sdelay $0x2  }
0xb8: {  	s31 =	sshll.u32 s1, $0xD;
	s1 =	sshrl.u32 s1, $0x2  }
0xb9: {  	s3 =	sand.u32 $0x4000, s31;
	s1 =	sadd.s32 s1, s30  }
0xba: {  	s0 =	sor.u32 s3, s0;
	s1 =	sshll.u32 s1, $0x11  }
0xbb: {  	s0 =	sor.u32 s1, s0  }
0xbc: {  	s0 =	sadd.s32 $0x8F2B, s0  }
0xbd: {  	[sflag:s0] =	ssyncadd.remote.s32 $0x1  }
0xbe: {  	_ =	sfence.sel $0xFFFF  }
0xbf: {  	[dreg:$0x0] =	wrdreg $0xFFFFFFFF;
	(pc) =	sbr.abs _section_cstart, $3  }
0xc0: {  	[dreg:$0x1] =	wrdreg $0xFFFFFFFF  }
0xc1: {  	_ =	task.clear_ibuf [dreg:s7], $0x2FFFF;
	_ =	strace $0x9FFFFFFF  }
0xc2: {  	(tm) =	ssettm $0x7FFFFFFF  }
0xc3: {  	_ =	shalt  }
tec
execute0_lowered:
.L_overlay_start_1:
0x0: {  	(tag) =	ssettag $0x1  }
0x1: {  	s1 =	srdreg.scid  }
0x2: {  	s0 =	stileid.u32;
	s6 =	sand.u32 $0x1, s1  }
0x3: {  	s5 =	rddreg [dreg:$0x0];
	s30 =	sshll.u32 s0, $0xA;
	s2 =	sshll.u32 s6, $0x9  }
0x4: {  	s8 =	rddreg [dreg:$0x1];
	s9 =	sor.u32 s2, s30  }
0x5: {  	s1 =	rddreg [dreg:$0x2];
	s2 =	simm.s32 $0x0;
	s3 =	sshrl.u32 s9, $0x3  }
0x6: {  	s10 =	ssub.s32 $0x2, s6;
	[smem:$0x7FF] =	sst s2;
	s3 =	sadd.s32 s3, s5  }
0x7: {  	_ =	strace $0x80000047;
	s4 =	sadd.s32 $0x22400, s3;
	s3 =	simm.s32 $0x2  }
0x8: {  	[tilespmem:s2], [sflag:$0x2] =	stream.linear.gather [hbm4b:s4+s2], $0x200, $0x38;
	[tilespmem:$0x10200] =	vst v63  }
0x9: {  	s7 =	simm.s32 $0x1;
	s11 =	sshrl.u32 s10, $0x1;
	_ =	swait.ge [sflag:s3], $0x200  }
0xa: {  	s6 =	simm.s32 $0x200;
	s10 =	ssub.s32 s10, s11;
	[sflag:s3] =	ssyncset.done $0x0  }
0xb: {  	s5 =	sadd.s32 $0x2400, s5;
	s31 =	smax.u32 s10, $0x1;
	[sflag:s3] =	ssyncadd.s32 $0xFFFFFE00  }
0xc: {  	[tilespmem:s6], [sflag:$0x1] =	stream.indirect.gather [hbm4b:s5+s6], $0x80, s2, s6, $0xb8;
	[tilespmem:$0x10200] =	vst v63  }
0xd: {  	p0 =	sne.s32 s31, $0x1;
	_ =	swait.ge [sflag:s7], $0x10000  }
.Ltmp0:
0xe: {  	s9 =	sshll.u32 s9, $0x4;
	[sflag:s7] =	ssyncset.done $0x0;
	(pc) =	sbr.rel @!p0 .LBB2_2-.Ltmp0, $4  }
0xf: {  	s8 =	sadd.s32 s8, s9;
	[sflag:s7] =	ssyncadd.s32 $0xFFFF0000  }
0x10: {  	[hbm4b:s8+s2] =	stream.linear.scatter [tilespmem:s6], [sflag:$0x2], $0x10000, $0x38;
	[tilespmem:$0x10200] =	vst v63  }
0x11: {  	_ =	swait.ge [sflag:s3], $0x10000  }
0x12: {  	s9 =	sadd.s32 $0xFFFFFFFF, s31;
	[sflag:s3] =	ssyncset.done $0x0  }
.LBB2_1:
0x13: {  	p0 =	sne.s32 s9, $0x1;
	s9 =	sadd.s32 $0xFFFFFFFF, s9;
	[sflag:s3] =	ssyncadd.s32 $0xFFFF0000  }
0x14: {  	[tilespmem:s2], [sflag:$0x2] =	stream.linear.gather [hbm4b:s4+s2], $0x200, $0x38;
	[tilespmem:$0x10200] =	vst v63  }
0x15: {  	_ =	swait.ge [sflag:s3], $0x200  }
0x16: {  	[sflag:s3] =	ssyncset.done $0x0  }
0x17: {  	[sflag:s3] =	ssyncadd.s32 $0xFFFFFE00  }
0x18: {  	[tilespmem:s6], [sflag:$0x1] =	stream.indirect.gather [hbm4b:s5+s6], $0x80, s2, s6, $0xb8;
	[tilespmem:$0x10200] =	vst v63  }
0x19: {  	_ =	swait.ge [sflag:s7], $0x10000  }
.Ltmp1:
0x1a: {  	[sflag:s7] =	ssyncset.done $0x0;
	(pc) =	sbr.rel @p0 .LBB2_1-.Ltmp1, $4  }
0x1b: {  	[sflag:s7] =	ssyncadd.s32 $0xFFFF0000  }
0x1c: {  	[hbm4b:s8+s2] =	stream.linear.scatter [tilespmem:s6], [sflag:$0x2], $0x10000, $0x38;
	[tilespmem:$0x10200] =	vst v63  }
0x1d: {  	_ =	swait.ge [sflag:s3], $0x10000  }
0x1e: {  	[sflag:s3] =	ssyncset.done $0x0  }
.LBB2_2:
0x1f: {  	[sflag:s3] =	ssyncadd.s32 $0xFFFF0000  }
0x20: {  	_ =	sfence.sel $0x180000  }
0x21: {  	[bflag:$0x0] =	sbarrier.arrive $0xFFFF  }
0x22: {  	p0 =	sne.s32 s0, $0x0;
	_ =	strace $0x90000047  }
0x23: {  	s0 =	sadd.s32 @!p0 $0x100000, s1;
	[bflag:$0x2] =	sbarrier.arrive $0xFFFF  }
0x24: {  	[sflag:s0] =	ssyncadd.tile.s32 @!p0 $0x1;
	_ =	shalt  }
.Lfunc_end2:
_tile_overlayer_lowered:
.L_overlay_start_2:
0x25: {  	(tag) =	ssettag $0x2  }
0x26: {  	s0 =	rddreg [dreg:$0x0];
	s2 =	stileid.u32  }
0x27: {  	s1 =	rddreg [dreg:$0x1];
	p0 =	sne.s32 s2, $0x0  }
0x28: {  	s3 =	rddreg [dreg:$0x2];
	[bflag:$0x3] =	sbarrier.arrive $0xFFFF;
	s2 =	simm.s32 @!p0 $0x1C02  }
0x29: {  	[timem:s3], [sflag:s2] =	dma.local @!p0 [hbm:s0], s1  }
0x2a: {  	s0 =	simm.s32 @!p0 $0x2  }
0x2b: {  	_ =	swait.ge @!p0 [sflag:s0], s1  }
0x2c: {  	s1 =	ssub.s32 @!p0 $0x0, s1;
	[sflag:s0] =	ssyncset.done @!p0 $0x0  }
0x2d: {  	[sflag:s0] =	ssyncadd.s32 @!p0 s1  }
0x2e: {  	[bflag:$0x3] =	sbarrier.arrive $0xFFFF  }
0x2f: {  	_ =	shalt  }

</sc_bundles>
